<compile_context>
chip_gen: v7x
topology: tpu7x:2x2x1
jax: 0.10.2.dev20260603
libtpu: 0.0.44.dev20260713+nightly
codegen_flags: <defaults>
</compile_context>

<pallas_src>
import functools

import jax
import jax.numpy as jnp
from jax import lax
from jax.experimental import pallas as pl
from jax.experimental.pallas import tpu as pltpu
from jax.experimental.pallas import tpu_sc as plsc

EMBED_DIM = 32
BATCH = 16384
NUM_ROWS = 100000

_NUM_CORES = 2
_NUM_SUBCORES = 16
_CHUNK = 4096
_NCHUNK = BATCH // _CHUNK
_NBUF = 3


@functools.partial(
    pl.kernel,
    mesh=plsc.VectorSubcoreMesh(core_axis_name="c", subcore_axis_name="s"),
    out_type=jax.ShapeDtypeStruct((EMBED_DIM, BATCH), jnp.float32),
    scratch_types=[
        pltpu.VMEM((NUM_ROWS,), jnp.float32),
        pltpu.VMEM((_CHUNK,), jnp.int32),
        pltpu.VMEM((_CHUNK,), jnp.int32),
        pltpu.VMEM((_CHUNK,), jnp.int32),
        pltpu.VMEM((BATCH,), jnp.float32),
        pltpu.MemorySpace.VMEM_SHARED((BATCH,), jnp.int32),
        pltpu.SemaphoreType.DMA,
        pltpu.SemaphoreType.DMA,
        pltpu.SemaphoreType.DMA,
        pltpu.SemaphoreType.DMA,
        pltpu.SemaphoreType.DMA,
    ],
    compiler_params=pltpu.CompilerParams(needs_layout_passes=False),
)
def _gather_kernel(idx_hbm, tab_hbm, out_hbm, col_v, idx_v0, idx_v1, idx_v2,
                   row_v, sidx, csem, isem0, isem1, isem2, wsem):
    s = lax.axis_index("s")
    d = s * _NUM_CORES + lax.axis_index("c")
    col_cp = pltpu.async_copy(tab_hbm.at[d, :], col_v, csem)

    @pl.when(s == 0)
    def _stage_ids():
        pltpu.sync_copy(idx_hbm, sidx)

    plsc.subcore_barrier()

    ibufs = [idx_v0, idx_v1, idx_v2]
    isems = [isem0, isem1, isem2]

    def fetch(c):
        return pltpu.async_copy(
            sidx.at[pl.ds(c * _CHUNK, _CHUNK)], ibufs[c % _NBUF], isems[c % _NBUF])

    pending = {c: fetch(c) for c in range(min(_NBUF, _NCHUNK))}
    col_cp.wait()

    write_cps = []
    for c in range(_NCHUNK):
        pending[c].wait()
        buf = ibufs[c % _NBUF]

        @plsc.parallel_loop(0, _CHUNK, step=16, unroll=8)
        def gather_body(i):
            iv = buf[pl.ds(i, 16)]
            row_v[pl.ds(c * _CHUNK + i, 16)] = plsc.load_gather(col_v, [iv])

        if c + _NBUF < _NCHUNK:
            pending[c + _NBUF] = fetch(c + _NBUF)
        write_cps.append(pltpu.async_copy(
            row_v.at[pl.ds(c * _CHUNK, _CHUNK)],
            out_hbm.at[d, pl.ds(c * _CHUNK, _CHUNK)], wsem))
    for cp in write_cps:
        cp.wait()


def kernel(platform_ids, table):
    out_t = _gather_kernel(platform_ids.astype(jnp.int32), table.T)
    return out_t.T

# --- scband reference (transcript-rebuilt; emitter-appended) ---
"""Pipeline reference for scband-platform-feature-encoder-11106785427701 (READ-ONLY COPY).

The authoritative reference and input builder live on the scoring server;
editing this copy changes nothing except your own understanding.
"""

import jax, jax.numpy as jnp
import numpy as np

NUM_PLATFORMS = 100000
EMBED_DIM = 32
BATCH = 16384


def setup_inputs(seed: int = 0) -> dict:
    key = jax.random.key(seed)
    k_idx, k_tab = jax.random.split(key)
    platform_ids = jax.random.randint(k_idx, (BATCH,), 0, NUM_PLATFORMS, dtype=jnp.int64 if jax.config.jax_enable_x64 else jnp.int32)
    table = jax.random.normal(k_tab, (NUM_PLATFORMS, EMBED_DIM), dtype=jnp.float32)
    return {"platform_ids": platform_ids, "table": table}


def reference(platform_ids, table):
    # nn.Embedding lookup; dropout p=0.0 is identity (eval semantics)
    embedded = jnp.take(table, platform_ids, axis=0)
    return embedded

if __name__ == "__main__":
    import jax
    _d = setup_inputs()
    print(jax.jit(kernel)(*tuple(_d.values())))

</pallas_src>

<mosaic_0001>
#map = affine_map<(d0, d1) -> (0)>
#map1 = affine_map<(d0, d1) -> (0, 0)>
module attributes {stable_mosaic.version = 14 : i64} {
  func.func @_gather_kernel(%arg0: i32, %arg1: i32, %arg2: memref<16384xi32, #tpu.memory_space<hbm>>, %arg3: memref<32x100000xf32, #tpu.memory_space<hbm>>, %arg4: memref<32x16384xf32, #tpu.memory_space<hbm>>, %arg5: memref<100000xf32, #tpu.memory_space<vmem>>, %arg6: memref<4096xi32, #tpu.memory_space<vmem>>, %arg7: memref<4096xi32, #tpu.memory_space<vmem>>, %arg8: memref<4096xi32, #tpu.memory_space<vmem>>, %arg9: memref<16384xf32, #tpu.memory_space<vmem>>, %arg10: memref<16384xi32, #tpu.memory_space<vmem_shared>>, %arg11: memref<!tpu.dma_semaphore, #tpu.memory_space<semaphore_mem>>, %arg12: memref<!tpu.dma_semaphore, #tpu.memory_space<semaphore_mem>>, %arg13: memref<!tpu.dma_semaphore, #tpu.memory_space<semaphore_mem>>, %arg14: memref<!tpu.dma_semaphore, #tpu.memory_space<semaphore_mem>>, %arg15: memref<!tpu.dma_semaphore, #tpu.memory_space<semaphore_mem>>) attributes {dimension_semantics = [#tpu.dimension_semantics<core_parallel>, #tpu.dimension_semantics<subcore_parallel>], iteration_bounds = array<i64: 2, 16>, scalar_prefetch = 0 : i64, scratch_operands = 11 : i64, tpu.core_type = #tpu.core_type<sc_vector_subcore>, window_params = [{transform_indices = #map}, {transform_indices = #map1}, {transform_indices = #map1}]} {
    %mul3A = arith.constant 2 : i32
    %mul3A_0 = arith.muli %arg1, %mul3A : i32
    %add3A = arith.addi %mul3A_0, %arg0 : i32
    %dma_start3A = arith.constant 0 : i32
    %dma_start3A_1 = tpu.memref_slice %arg3[%add3A, %dma_start3A] : memref<32x100000xf32, #tpu.memory_space<hbm>> -> memref<1x100000xf32, #tpu.memory_space<hbm>>
    %dma_start3A_2 = tpu.memref_squeeze %dma_start3A_1 : memref<1x100000xf32, #tpu.memory_space<hbm>> -> memref<100000xf32, #tpu.memory_space<hbm>>
    %dma_start3A_3 = arith.constant 0 : i32
    %dma_start3A_4 = tpu.memref_slice %arg3[%add3A, %dma_start3A_3] : memref<32x100000xf32, #tpu.memory_space<hbm>> -> memref<1x100000xf32, #tpu.memory_space<hbm>>
    %dma_start3A_5 = tpu.memref_squeeze %dma_start3A_4 : memref<1x100000xf32, #tpu.memory_space<hbm>> -> memref<100000xf32, #tpu.memory_space<hbm>>
    tpu.enqueue_dma source(%dma_start3A_5 : memref<100000xf32, #tpu.memory_space<hbm>>) target(%arg5 : memref<100000xf32, #tpu.memory_space<vmem>>) target_semaphore(%arg11 : memref<!tpu.dma_semaphore, #tpu.memory_space<semaphore_mem>>)
    %eq3A = arith.constant 0 : i32
    %eq3A_6 = arith.cmpi eq, %arg1, %eq3A : i32
    %convert_element_type3A = arith.extui %eq3A_6 : i1 to i32
    %cond3A = arith.constant 0 : i32
    %cond3A_7 = arith.cmpi ne, %convert_element_type3A, %cond3A : i32
    scf.if %cond3A_7 {
      "tpu.region"() ({
        %run_scoped3A = tpu.sem_alloc : memref<!tpu.dma_semaphore, #tpu.memory_space<semaphore_mem>>
        tpu.enqueue_dma source(%arg2 : memref<16384xi32, #tpu.memory_space<hbm>>) target(%arg10 : memref<16384xi32, #tpu.memory_space<vmem_shared>>) target_semaphore(%run_scoped3A : memref<!tpu.dma_semaphore, #tpu.memory_space<semaphore_mem>>)
        tpu.wait_dma2 semaphore(%run_scoped3A : memref<!tpu.dma_semaphore, #tpu.memory_space<semaphore_mem>>) src(%arg2 : memref<16384xi32, #tpu.memory_space<hbm>>) dst(%arg10 : memref<16384xi32, #tpu.memory_space<vmem_shared>>)
        tpu.yield
      }) : () -> ()
    } else {
    }
    %barrier3A = arith.constant 0 : index
    tpu.barrier barrier_id(%barrier3A)
    %dma_start3A_8 = arith.constant 0 : i32
    %dma_start3A_9 = tpu.memref_slice %arg10[%dma_start3A_8] : memref<16384xi32, #tpu.memory_space<vmem_shared>> -> memref<4096xi32, #tpu.memory_space<vmem_shared>>
    %dma_start3A_10 = arith.constant 0 : i32
    %dma_start3A_11 = tpu.memref_slice %arg10[%dma_start3A_10] : memref<16384xi32, #tpu.memory_space<vmem_shared>> -> memref<4096xi32, #tpu.memory_space<vmem_shared>>
    tpu.enqueue_dma source(%dma_start3A_11 : memref<4096xi32, #tpu.memory_space<vmem_shared>>) target(%arg6 : memref<4096xi32, #tpu.memory_space<vmem>>) target_semaphore(%arg12 : memref<!tpu.dma_semaphore, #tpu.memory_space<semaphore_mem>>)
    %dma_start3A_12 = arith.constant 4096 : i32
    %dma_start3A_13 = tpu.memref_slice %arg10[%dma_start3A_12] : memref<16384xi32, #tpu.memory_space<vmem_shared>> -> memref<4096xi32, #tpu.memory_space<vmem_shared>>
    %dma_start3A_14 = arith.constant 4096 : i32
    %dma_start3A_15 = tpu.memref_slice %arg10[%dma_start3A_14] : memref<16384xi32, #tpu.memory_space<vmem_shared>> -> memref<4096xi32, #tpu.memory_space<vmem_shared>>
    tpu.enqueue_dma source(%dma_start3A_15 : memref<4096xi32, #tpu.memory_space<vmem_shared>>) target(%arg7 : memref<4096xi32, #tpu.memory_space<vmem>>) target_semaphore(%arg13 : memref<!tpu.dma_semaphore, #tpu.memory_space<semaphore_mem>>)
    %dma_start3A_16 = arith.constant 8192 : i32
    %dma_start3A_17 = tpu.memref_slice %arg10[%dma_start3A_16] : memref<16384xi32, #tpu.memory_space<vmem_shared>> -> memref<4096xi32, #tpu.memory_space<vmem_shared>>
    %dma_start3A_18 = arith.constant 8192 : i32
    %dma_start3A_19 = tpu.memref_slice %arg10[%dma_start3A_18] : memref<16384xi32, #tpu.memory_space<vmem_shared>> -> memref<4096xi32, #tpu.memory_space<vmem_shared>>
    tpu.enqueue_dma source(%dma_start3A_19 : memref<4096xi32, #tpu.memory_space<vmem_shared>>) target(%arg8 : memref<4096xi32, #tpu.memory_space<vmem>>) target_semaphore(%arg14 : memref<!tpu.dma_semaphore, #tpu.memory_space<semaphore_mem>>)
    %dma_wait3A = arith.constant 0 : i32
    %dma_wait3A_20 = tpu.memref_slice %arg3[%add3A, %dma_wait3A] : memref<32x100000xf32, #tpu.memory_space<hbm>> -> memref<1x100000xf32, #tpu.memory_space<hbm>>
    %dma_wait3A_21 = tpu.memref_squeeze %dma_wait3A_20 : memref<1x100000xf32, #tpu.memory_space<hbm>> -> memref<100000xf32, #tpu.memory_space<hbm>>
    %dma_wait3A_22 = arith.constant 0 : i32
    %dma_wait3A_23 = tpu.memref_slice %arg3[%add3A, %dma_wait3A_22] : memref<32x100000xf32, #tpu.memory_space<hbm>> -> memref<1x100000xf32, #tpu.memory_space<hbm>>
    %dma_wait3A_24 = tpu.memref_squeeze %dma_wait3A_23 : memref<1x100000xf32, #tpu.memory_space<hbm>> -> memref<100000xf32, #tpu.memory_space<hbm>>
    tpu.wait_dma2 semaphore(%arg11 : memref<!tpu.dma_semaphore, #tpu.memory_space<semaphore_mem>>) src(%dma_wait3A_24 : memref<100000xf32, #tpu.memory_space<hbm>>) dst(%arg5 : memref<100000xf32, #tpu.memory_space<vmem>>)
    %dma_wait3A_25 = arith.constant 0 : i32
    %dma_wait3A_26 = tpu.memref_slice %arg10[%dma_wait3A_25] : memref<16384xi32, #tpu.memory_space<vmem_shared>> -> memref<4096xi32, #tpu.memory_space<vmem_shared>>
    %dma_wait3A_27 = arith.constant 0 : i32
    %dma_wait3A_28 = tpu.memref_slice %arg10[%dma_wait3A_27] : memref<16384xi32, #tpu.memory_space<vmem_shared>> -> memref<4096xi32, #tpu.memory_space<vmem_shared>>
    tpu.wait_dma2 semaphore(%arg12 : memref<!tpu.dma_semaphore, #tpu.memory_space<semaphore_mem>>) src(%dma_wait3A_28 : memref<4096xi32, #tpu.memory_space<vmem_shared>>) dst(%arg6 : memref<4096xi32, #tpu.memory_space<vmem>>)
    %parallel_loop3A = arith.constant 0 : i32
    %parallel_loop3A_29 = arith.constant 4096 : i32
    %parallel_loop3A_30 = arith.constant 16 : i32
    scf.for %parallel_loop3A_136 = %parallel_loop3A to %parallel_loop3A_29 step %parallel_loop3A_30  : i32 {
      %parallel_loop3A_137 = arith.index_cast %parallel_loop3A_136 : i32 to index
      %parallel_loop3A_138 = tpu.vector_load %arg6[%parallel_loop3A_137] {strides = array<i32>} : memref<4096xi32, #tpu.memory_space<vmem>>, vector<16xi32>,
      %parallel_loop3A_139 = tpu.vector_load_idx %arg5[%parallel_loop3A_138] : memref<100000xf32, #tpu.memory_space<vmem>>[vector<16xi32>], vector<16xf32>,
      %parallel_loop3A_140 = arith.constant 0 : i32
      %parallel_loop3A_141 = arith.addi %parallel_loop3A_140, %parallel_loop3A_136 : i32
      %parallel_loop3A_142 = arith.index_cast %parallel_loop3A_141 : i32 to index
      %parallel_loop3A_143 = tpu.vector_load %arg9[%parallel_loop3A_142] {strides = array<i32>} : memref<16384xf32, #tpu.memory_space<vmem>>, vector<16xf32>,
      tpu.vector_store %arg9[%parallel_loop3A_142], %parallel_loop3A_139 {strides = array<i32>} : memref<16384xf32, #tpu.memory_space<vmem>>, vector<16xf32>,
    } {sc.loop_unroll_factor = 8 : i64, sc.parallel_access}
    %dma_start3A_31 = arith.constant 12288 : i32
    %dma_start3A_32 = tpu.memref_slice %arg10[%dma_start3A_31] : memref<16384xi32, #tpu.memory_space<vmem_shared>> -> memref<4096xi32, #tpu.memory_space<vmem_shared>>
    %dma_start3A_33 = arith.constant 12288 : i32
    %dma_start3A_34 = tpu.memref_slice %arg10[%dma_start3A_33] : memref<16384xi32, #tpu.memory_space<vmem_shared>> -> memref<4096xi32, #tpu.memory_space<vmem_shared>>
    tpu.enqueue_dma source(%dma_start3A_34 : memref<4096xi32, #tpu.memory_space<vmem_shared>>) target(%arg6 : memref<4096xi32, #tpu.memory_space<vmem>>) target_semaphore(%arg12 : memref<!tpu.dma_semaphore, #tpu.memory_space<semaphore_mem>>)
    %dma_start3A_35 = arith.constant 0 : i32
    %dma_start3A_36 = tpu.memref_slice %arg9[%dma_start3A_35] : memref<16384xf32, #tpu.memory_space<vmem>> -> memref<4096xf32, #tpu.memory_space<vmem>>
    %dma_start3A_37 = arith.constant 0 : i32
    %dma_start3A_38 = tpu.memref_slice %arg4[%add3A, %dma_start3A_37] : memref<32x16384xf32, #tpu.memory_space<hbm>> -> memref<1x4096xf32, #tpu.memory_space<hbm>>
    %dma_start3A_39 = tpu.memref_squeeze %dma_start3A_38 : memref<1x4096xf32, #tpu.memory_space<hbm>> -> memref<4096xf32, #tpu.memory_space<hbm>>
    %dma_start3A_40 = arith.constant 0 : i32
    %dma_start3A_41 = tpu.memref_slice %arg4[%add3A, %dma_start3A_40] : memref<32x16384xf32, #tpu.memory_space<hbm>> -> memref<1x4096xf32, #tpu.memory_space<hbm>>
    %dma_start3A_42 = tpu.memref_squeeze %dma_start3A_41 : memref<1x4096xf32, #tpu.memory_space<hbm>> -> memref<4096xf32, #tpu.memory_space<hbm>>
    %dma_start3A_43 = arith.constant 0 : i32
    %dma_start3A_44 = tpu.memref_slice %arg9[%dma_start3A_43] : memref<16384xf32, #tpu.memory_space<vmem>> -> memref<4096xf32, #tpu.memory_space<vmem>>
    tpu.enqueue_dma source(%dma_start3A_44 : memref<4096xf32, #tpu.memory_space<vmem>>) target(%dma_start3A_42 : memref<4096xf32, #tpu.memory_space<hbm>>) target_semaphore(%arg15 : memref<!tpu.dma_semaphore, #tpu.memory_space<semaphore_mem>>)
    %dma_wait3A_45 = arith.constant 4096 : i32
    %dma_wait3A_46 = tpu.memref_slice %arg10[%dma_wait3A_45] : memref<16384xi32, #tpu.memory_space<vmem_shared>> -> memref<4096xi32, #tpu.memory_space<vmem_shared>>
    %dma_wait3A_47 = arith.constant 4096 : i32
    %dma_wait3A_48 = tpu.memref_slice %arg10[%dma_wait3A_47] : memref<16384xi32, #tpu.memory_space<vmem_shared>> -> memref<4096xi32, #tpu.memory_space<vmem_shared>>
    tpu.wait_dma2 semaphore(%arg13 : memref<!tpu.dma_semaphore, #tpu.memory_space<semaphore_mem>>) src(%dma_wait3A_48 : memref<4096xi32, #tpu.memory_space<vmem_shared>>) dst(%arg7 : memref<4096xi32, #tpu.memory_space<vmem>>)
    %parallel_loop3A_49 = arith.constant 0 : i32
    %parallel_loop3A_50 = arith.constant 4096 : i32
    %parallel_loop3A_51 = arith.constant 16 : i32
    scf.for %parallel_loop3A_136 = %parallel_loop3A_49 to %parallel_loop3A_50 step %parallel_loop3A_51  : i32 {
      %parallel_loop3A_137 = arith.index_cast %parallel_loop3A_136 : i32 to index
      %parallel_loop3A_138 = tpu.vector_load %arg7[%parallel_loop3A_137] {strides = array<i32>} : memref<4096xi32, #tpu.memory_space<vmem>>, vector<16xi32>,
      %parallel_loop3A_139 = tpu.vector_load_idx %arg5[%parallel_loop3A_138] : memref<100000xf32, #tpu.memory_space<vmem>>[vector<16xi32>], vector<16xf32>,
      %parallel_loop3A_140 = arith.constant 4096 : i32
      %parallel_loop3A_141 = arith.addi %parallel_loop3A_140, %parallel_loop3A_136 : i32
      %parallel_loop3A_142 = arith.index_cast %parallel_loop3A_141 : i32 to index
      %parallel_loop3A_143 = tpu.vector_load %arg9[%parallel_loop3A_142] {strides = array<i32>} : memref<16384xf32, #tpu.memory_space<vmem>>, vector<16xf32>,
      tpu.vector_store %arg9[%parallel_loop3A_142], %parallel_loop3A_139 {strides = array<i32>} : memref<16384xf32, #tpu.memory_space<vmem>>, vector<16xf32>,
    } {sc.loop_unroll_factor = 8 : i64, sc.parallel_access}
    %dma_start3A_52 = arith.constant 4096 : i32
    %dma_start3A_53 = tpu.memref_slice %arg9[%dma_start3A_52] : memref<16384xf32, #tpu.memory_space<vmem>> -> memref<4096xf32, #tpu.memory_space<vmem>>
    %dma_start3A_54 = arith.constant 4096 : i32
    %dma_start3A_55 = tpu.memref_slice %arg4[%add3A, %dma_start3A_54] : memref<32x16384xf32, #tpu.memory_space<hbm>> -> memref<1x4096xf32, #tpu.memory_space<hbm>>
    %dma_start3A_56 = tpu.memref_squeeze %dma_start3A_55 : memref<1x4096xf32, #tpu.memory_space<hbm>> -> memref<4096xf32, #tpu.memory_space<hbm>>
    %dma_start3A_57 = arith.constant 4096 : i32
    %dma_start3A_58 = tpu.memref_slice %arg4[%add3A, %dma_start3A_57] : memref<32x16384xf32, #tpu.memory_space<hbm>> -> memref<1x4096xf32, #tpu.memory_space<hbm>>
    %dma_start3A_59 = tpu.memref_squeeze %dma_start3A_58 : memref<1x4096xf32, #tpu.memory_space<hbm>> -> memref<4096xf32, #tpu.memory_space<hbm>>
    %dma_start3A_60 = arith.constant 4096 : i32
    %dma_start3A_61 = tpu.memref_slice %arg9[%dma_start3A_60] : memref<16384xf32, #tpu.memory_space<vmem>> -> memref<4096xf32, #tpu.memory_space<vmem>>
    tpu.enqueue_dma source(%dma_start3A_61 : memref<4096xf32, #tpu.memory_space<vmem>>) target(%dma_start3A_59 : memref<4096xf32, #tpu.memory_space<hbm>>) target_semaphore(%arg15 : memref<!tpu.dma_semaphore, #tpu.memory_space<semaphore_mem>>)
    %dma_wait3A_62 = arith.constant 8192 : i32
    %dma_wait3A_63 = tpu.memref_slice %arg10[%dma_wait3A_62] : memref<16384xi32, #tpu.memory_space<vmem_shared>> -> memref<4096xi32, #tpu.memory_space<vmem_shared>>
    %dma_wait3A_64 = arith.constant 8192 : i32
    %dma_wait3A_65 = tpu.memref_slice %arg10[%dma_wait3A_64] : memref<16384xi32, #tpu.memory_space<vmem_shared>> -> memref<4096xi32, #tpu.memory_space<vmem_shared>>
    tpu.wait_dma2 semaphore(%arg14 : memref<!tpu.dma_semaphore, #tpu.memory_space<semaphore_mem>>) src(%dma_wait3A_65 : memref<4096xi32, #tpu.memory_space<vmem_shared>>) dst(%arg8 : memref<4096xi32, #tpu.memory_space<vmem>>)
    %parallel_loop3A_66 = arith.constant 0 : i32
    %parallel_loop3A_67 = arith.constant 4096 : i32
    %parallel_loop3A_68 = arith.constant 16 : i32
    scf.for %parallel_loop3A_136 = %parallel_loop3A_66 to %parallel_loop3A_67 step %parallel_loop3A_68  : i32 {
      %parallel_loop3A_137 = arith.index_cast %parallel_loop3A_136 : i32 to index
      %parallel_loop3A_138 = tpu.vector_load %arg8[%parallel_loop3A_137] {strides = array<i32>} : memref<4096xi32, #tpu.memory_space<vmem>>, vector<16xi32>,
      %parallel_loop3A_139 = tpu.vector_load_idx %arg5[%parallel_loop3A_138] : memref<100000xf32, #tpu.memory_space<vmem>>[vector<16xi32>], vector<16xf32>,
      %parallel_loop3A_140 = arith.constant 8192 : i32
      %parallel_loop3A_141 = arith.addi %parallel_loop3A_140, %parallel_loop3A_136 : i32
      %parallel_loop3A_142 = arith.index_cast %parallel_loop3A_141 : i32 to index
      %parallel_loop3A_143 = tpu.vector_load %arg9[%parallel_loop3A_142] {strides = array<i32>} : memref<16384xf32, #tpu.memory_space<vmem>>, vector<16xf32>,
      tpu.vector_store %arg9[%parallel_loop3A_142], %parallel_loop3A_139 {strides = array<i32>} : memref<16384xf32, #tpu.memory_space<vmem>>, vector<16xf32>,
    } {sc.loop_unroll_factor = 8 : i64, sc.parallel_access}
    %dma_start3A_69 = arith.constant 8192 : i32
    %dma_start3A_70 = tpu.memref_slice %arg9[%dma_start3A_69] : memref<16384xf32, #tpu.memory_space<vmem>> -> memref<4096xf32, #tpu.memory_space<vmem>>
    %dma_start3A_71 = arith.constant 8192 : i32
    %dma_start3A_72 = tpu.memref_slice %arg4[%add3A, %dma_start3A_71] : memref<32x16384xf32, #tpu.memory_space<hbm>> -> memref<1x4096xf32, #tpu.memory_space<hbm>>
    %dma_start3A_73 = tpu.memref_squeeze %dma_start3A_72 : memref<1x4096xf32, #tpu.memory_space<hbm>> -> memref<4096xf32, #tpu.memory_space<hbm>>
    %dma_start3A_74 = arith.constant 8192 : i32
    %dma_start3A_75 = tpu.memref_slice %arg4[%add3A, %dma_start3A_74] : memref<32x16384xf32, #tpu.memory_space<hbm>> -> memref<1x4096xf32, #tpu.memory_space<hbm>>
    %dma_start3A_76 = tpu.memref_squeeze %dma_start3A_75 : memref<1x4096xf32, #tpu.memory_space<hbm>> -> memref<4096xf32, #tpu.memory_space<hbm>>
    %dma_start3A_77 = arith.constant 8192 : i32
    %dma_start3A_78 = tpu.memref_slice %arg9[%dma_start3A_77] : memref<16384xf32, #tpu.memory_space<vmem>> -> memref<4096xf32, #tpu.memory_space<vmem>>
    tpu.enqueue_dma source(%dma_start3A_78 : memref<4096xf32, #tpu.memory_space<vmem>>) target(%dma_start3A_76 : memref<4096xf32, #tpu.memory_space<hbm>>) target_semaphore(%arg15 : memref<!tpu.dma_semaphore, #tpu.memory_space<semaphore_mem>>)
    %dma_wait3A_79 = arith.constant 12288 : i32
    %dma_wait3A_80 = tpu.memref_slice %arg10[%dma_wait3A_79] : memref<16384xi32, #tpu.memory_space<vmem_shared>> -> memref<4096xi32, #tpu.memory_space<vmem_shared>>
    %dma_wait3A_81 = arith.constant 12288 : i32
    %dma_wait3A_82 = tpu.memref_slice %arg10[%dma_wait3A_81] : memref<16384xi32, #tpu.memory_space<vmem_shared>> -> memref<4096xi32, #tpu.memory_space<vmem_shared>>
    tpu.wait_dma2 semaphore(%arg12 : memref<!tpu.dma_semaphore, #tpu.memory_space<semaphore_mem>>) src(%dma_wait3A_82 : memref<4096xi32, #tpu.memory_space<vmem_shared>>) dst(%arg6 : memref<4096xi32, #tpu.memory_space<vmem>>)
    %parallel_loop3A_83 = arith.constant 0 : i32
    %parallel_loop3A_84 = arith.constant 4096 : i32
    %parallel_loop3A_85 = arith.constant 16 : i32
    scf.for %parallel_loop3A_136 = %parallel_loop3A_83 to %parallel_loop3A_84 step %parallel_loop3A_85  : i32 {
      %parallel_loop3A_137 = arith.index_cast %parallel_loop3A_136 : i32 to index
      %parallel_loop3A_138 = tpu.vector_load %arg6[%parallel_loop3A_137] {strides = array<i32>} : memref<4096xi32, #tpu.memory_space<vmem>>, vector<16xi32>,
      %parallel_loop3A_139 = tpu.vector_load_idx %arg5[%parallel_loop3A_138] : memref<100000xf32, #tpu.memory_space<vmem>>[vector<16xi32>], vector<16xf32>,
      %parallel_loop3A_140 = arith.constant 12288 : i32
      %parallel_loop3A_141 = arith.addi %parallel_loop3A_140, %parallel_loop3A_136 : i32
      %parallel_loop3A_142 = arith.index_cast %parallel_loop3A_141 : i32 to index
      %parallel_loop3A_143 = tpu.vector_load %arg9[%parallel_loop3A_142] {strides = array<i32>} : memref<16384xf32, #tpu.memory_space<vmem>>, vector<16xf32>,
      tpu.vector_store %arg9[%parallel_loop3A_142], %parallel_loop3A_139 {strides = array<i32>} : memref<16384xf32, #tpu.memory_space<vmem>>, vector<16xf32>,
    } {sc.loop_unroll_factor = 8 : i64, sc.parallel_access}
    %dma_start3A_86 = arith.constant 12288 : i32
    %dma_start3A_87 = tpu.memref_slice %arg9[%dma_start3A_86] : memref<16384xf32, #tpu.memory_space<vmem>> -> memref<4096xf32, #tpu.memory_space<vmem>>
    %dma_start3A_88 = arith.constant 12288 : i32
    %dma_start3A_89 = tpu.memref_slice %arg4[%add3A, %dma_start3A_88] : memref<32x16384xf32, #tpu.memory_space<hbm>> -> memref<1x4096xf32, #tpu.memory_space<hbm>>
    %dma_start3A_90 = tpu.memref_squeeze %dma_start3A_89 : memref<1x4096xf32, #tpu.memory_space<hbm>> -> memref<4096xf32, #tpu.memory_space<hbm>>
    %dma_start3A_91 = arith.constant 12288 : i32
    %dma_start3A_92 = tpu.memref_slice %arg4[%add3A, %dma_start3A_91] : memref<32x16384xf32, #tpu.memory_space<hbm>> -> memref<1x4096xf32, #tpu.memory_space<hbm>>
    %dma_start3A_93 = tpu.memref_squeeze %dma_start3A_92 : memref<1x4096xf32, #tpu.memory_space<hbm>> -> memref<4096xf32, #tpu.memory_space<hbm>>
    %dma_start3A_94 = arith.constant 12288 : i32
    %dma_start3A_95 = tpu.memref_slice %arg9[%dma_start3A_94] : memref<16384xf32, #tpu.memory_space<vmem>> -> memref<4096xf32, #tpu.memory_space<vmem>>
    tpu.enqueue_dma source(%dma_start3A_95 : memref<4096xf32, #tpu.memory_space<vmem>>) target(%dma_start3A_93 : memref<4096xf32, #tpu.memory_space<hbm>>) target_semaphore(%arg15 : memref<!tpu.dma_semaphore, #tpu.memory_space<semaphore_mem>>)
    %dma_wait3A_96 = arith.constant 0 : i32
    %dma_wait3A_97 = tpu.memref_slice %arg9[%dma_wait3A_96] : memref<16384xf32, #tpu.memory_space<vmem>> -> memref<4096xf32, #tpu.memory_space<vmem>>
    %dma_wait3A_98 = arith.constant 0 : i32
    %dma_wait3A_99 = tpu.memref_slice %arg4[%add3A, %dma_wait3A_98] : memref<32x16384xf32, #tpu.memory_space<hbm>> -> memref<1x4096xf32, #tpu.memory_space<hbm>>
    %dma_wait3A_100 = tpu.memref_squeeze %dma_wait3A_99 : memref<1x4096xf32, #tpu.memory_space<hbm>> -> memref<4096xf32, #tpu.memory_space<hbm>>
    %dma_wait3A_101 = arith.constant 0 : i32
    %dma_wait3A_102 = tpu.memref_slice %arg4[%add3A, %dma_wait3A_101] : memref<32x16384xf32, #tpu.memory_space<hbm>> -> memref<1x4096xf32, #tpu.memory_space<hbm>>
    %dma_wait3A_103 = tpu.memref_squeeze %dma_wait3A_102 : memref<1x4096xf32, #tpu.memory_space<hbm>> -> memref<4096xf32, #tpu.memory_space<hbm>>
    %dma_wait3A_104 = arith.constant 0 : i32
    %dma_wait3A_105 = tpu.memref_slice %arg9[%dma_wait3A_104] : memref<16384xf32, #tpu.memory_space<vmem>> -> memref<4096xf32, #tpu.memory_space<vmem>>
    tpu.wait_dma2 semaphore(%arg15 : memref<!tpu.dma_semaphore, #tpu.memory_space<semaphore_mem>>) src(%dma_wait3A_105 : memref<4096xf32, #tpu.memory_space<vmem>>) dst(%dma_wait3A_103 : memref<4096xf32, #tpu.memory_space<hbm>>)
    %dma_wait3A_106 = arith.constant 4096 : i32
    %dma_wait3A_107 = tpu.memref_slice %arg9[%dma_wait3A_106] : memref<16384xf32, #tpu.memory_space<vmem>> -> memref<4096xf32, #tpu.memory_space<vmem>>
    %dma_wait3A_108 = arith.constant 4096 : i32
    %dma_wait3A_109 = tpu.memref_slice %arg4[%add3A, %dma_wait3A_108] : memref<32x16384xf32, #tpu.memory_space<hbm>> -> memref<1x4096xf32, #tpu.memory_space<hbm>>
    %dma_wait3A_110 = tpu.memref_squeeze %dma_wait3A_109 : memref<1x4096xf32, #tpu.memory_space<hbm>> -> memref<4096xf32, #tpu.memory_space<hbm>>
    %dma_wait3A_111 = arith.constant 4096 : i32
    %dma_wait3A_112 = tpu.memref_slice %arg4[%add3A, %dma_wait3A_111] : memref<32x16384xf32, #tpu.memory_space<hbm>> -> memref<1x4096xf32, #tpu.memory_space<hbm>>
    %dma_wait3A_113 = tpu.memref_squeeze %dma_wait3A_112 : memref<1x4096xf32, #tpu.memory_space<hbm>> -> memref<4096xf32, #tpu.memory_space<hbm>>
    %dma_wait3A_114 = arith.constant 4096 : i32
    %dma_wait3A_115 = tpu.memref_slice %arg9[%dma_wait3A_114] : memref<16384xf32, #tpu.memory_space<vmem>> -> memref<4096xf32, #tpu.memory_space<vmem>>
    tpu.wait_dma2 semaphore(%arg15 : memref<!tpu.dma_semaphore, #tpu.memory_space<semaphore_mem>>) src(%dma_wait3A_115 : memref<4096xf32, #tpu.memory_space<vmem>>) dst(%dma_wait3A_113 : memref<4096xf32, #tpu.memory_space<hbm>>)
    %dma_wait3A_116 = arith.constant 8192 : i32
    %dma_wait3A_117 = tpu.memref_slice %arg9[%dma_wait3A_116] : memref<16384xf32, #tpu.memory_space<vmem>> -> memref<4096xf32, #tpu.memory_space<vmem>>
    %dma_wait3A_118 = arith.constant 8192 : i32
    %dma_wait3A_119 = tpu.memref_slice %arg4[%add3A, %dma_wait3A_118] : memref<32x16384xf32, #tpu.memory_space<hbm>> -> memref<1x4096xf32, #tpu.memory_space<hbm>>
    %dma_wait3A_120 = tpu.memref_squeeze %dma_wait3A_119 : memref<1x4096xf32, #tpu.memory_space<hbm>> -> memref<4096xf32, #tpu.memory_space<hbm>>
    %dma_wait3A_121 = arith.constant 8192 : i32
    %dma_wait3A_122 = tpu.memref_slice %arg4[%add3A, %dma_wait3A_121] : memref<32x16384xf32, #tpu.memory_space<hbm>> -> memref<1x4096xf32, #tpu.memory_space<hbm>>
    %dma_wait3A_123 = tpu.memref_squeeze %dma_wait3A_122 : memref<1x4096xf32, #tpu.memory_space<hbm>> -> memref<4096xf32, #tpu.memory_space<hbm>>
    %dma_wait3A_124 = arith.constant 8192 : i32
    %dma_wait3A_125 = tpu.memref_slice %arg9[%dma_wait3A_124] : memref<16384xf32, #tpu.memory_space<vmem>> -> memref<4096xf32, #tpu.memory_space<vmem>>
    tpu.wait_dma2 semaphore(%arg15 : memref<!tpu.dma_semaphore, #tpu.memory_space<semaphore_mem>>) src(%dma_wait3A_125 : memref<4096xf32, #tpu.memory_space<vmem>>) dst(%dma_wait3A_123 : memref<4096xf32, #tpu.memory_space<hbm>>)
    %dma_wait3A_126 = arith.constant 12288 : i32
    %dma_wait3A_127 = tpu.memref_slice %arg9[%dma_wait3A_126] : memref<16384xf32, #tpu.memory_space<vmem>> -> memref<4096xf32, #tpu.memory_space<vmem>>
    %dma_wait3A_128 = arith.constant 12288 : i32
    %dma_wait3A_129 = tpu.memref_slice %arg4[%add3A, %dma_wait3A_128] : memref<32x16384xf32, #tpu.memory_space<hbm>> -> memref<1x4096xf32, #tpu.memory_space<hbm>>
    %dma_wait3A_130 = tpu.memref_squeeze %dma_wait3A_129 : memref<1x4096xf32, #tpu.memory_space<hbm>> -> memref<4096xf32, #tpu.memory_space<hbm>>
    %dma_wait3A_131 = arith.constant 12288 : i32
    %dma_wait3A_132 = tpu.memref_slice %arg4[%add3A, %dma_wait3A_131] : memref<32x16384xf32, #tpu.memory_space<hbm>> -> memref<1x4096xf32, #tpu.memory_space<hbm>>
    %dma_wait3A_133 = tpu.memref_squeeze %dma_wait3A_132 : memref<1x4096xf32, #tpu.memory_space<hbm>> -> memref<4096xf32, #tpu.memory_space<hbm>>
    %dma_wait3A_134 = arith.constant 12288 : i32
    %dma_wait3A_135 = tpu.memref_slice %arg9[%dma_wait3A_134] : memref<16384xf32, #tpu.memory_space<vmem>> -> memref<4096xf32, #tpu.memory_space<vmem>>
    tpu.wait_dma2 semaphore(%arg15 : memref<!tpu.dma_semaphore, #tpu.memory_space<semaphore_mem>>) src(%dma_wait3A_135 : memref<4096xf32, #tpu.memory_space<vmem>>) dst(%dma_wait3A_133 : memref<4096xf32, #tpu.memory_space<hbm>>)
    return
  }
}

</mosaic_0001>

<sc_bundles>
// kernel: kernel.3.cloned.1.call-start
scs
__scs_entry_jumppad:
0x0: {  	(pc) =	sbr.rel $0x88, $3  }
0x1: {  	(tag) =	ssettag $0x0;
	lr =	simm.s32 $0x1  }
0x2: {  	[smem:$0x3F9F] =	sst lr;
	_ =	strace $0xD0000000  }
0x3: {  	_ = 	snop  }
0x4: {  	_ = 	snop  }
0x5: {  	_ = 	snop  }
0x6: {  	_ = 	snop  }
0x7: {  	_ = 	snop  }
__scs_overlays_trampoline_lowered:
0x8: {  	[smem:$0x3FAE] =	sst s0  }
0x9: {  	[smem:$0x3FAF] =	sst s1  }
0xa: {  	[smem:$0x3FB0] =	sst s2  }
0xb: {  	[smem:$0x3FB1] =	sst s3  }
0xc: {  	[smem:$0x3FB2] =	sst s4  }
0xd: {  	[smem:$0x3FB3] =	sst s5  }
0xe: {  	[smem:$0x3FB4] =	sst s6  }
0xf: {  	[smem:$0x3FB5] =	sst s7  }
0x10: {  	[smem:$0x3FB6] =	sst s8  }
0x11: {  	[smem:$0x3FB7] =	sst s9;
	s0 =	simm.s32 @!p0 $0x0  }
0x12: {  	s1 =	sld [smem:$0x3F9D];
	s0 =	simm.s32 @p0 $0x1  }
0x13: {  	[smem:$0x3FB8] =	sst s0;
	s0 =	simm.s32 @!p1 $0x0  }
0x14: {  	s2 =	sld [smem:$0x3F9C];
	s0 =	simm.s32 @p1 $0x1  }
0x15: {  	[smem:$0x3FB9] =	sst s0;
	s0 =	simm.s32 @!p2 $0x0  }
0x16: {  	s3 =	sld [smem:$0x3FDB];
	s0 =	simm.s32 @p2 $0x1  }
0x17: {  	s4 =	simm.s32 $0x1BF5;
	[smem:$0x3FBB] =	sst s0  }
0x18: {  	s0 =	sld [smem:$0x3F9E];
	_ =	swait.ge [sflag:s4], $0x0  }
0x19: {  	s7 =	sld [smem:$0x3F9F]  }
0x1a: {  	s8 =	sadd.s32 $0xFFFFE003, lr  }
0x1b: {  	s9 =	sadd.s32 $0xFFFFFEF7, lr;
	s5 =	simm.s32 $0xFFFFFFFF;
	p2 =	slt.u32 s8, $0xFFFFF086  }
0x1c: {  	p1 =	slt.u32 s9, $0xF7A;
	s5 =	simm.s32 @!p2 $0x0  }
0x1d: {  	s5 =	simm.s32 @p1 $0x1;
	p0 =	seq.s32 s7, s2  }
0x1e: {  	s7 =	smul.u32 @!p0 $0xF7A, s2;
	p2 =	seq.s32 @!p0 s5, $0x0  }
0x1f: {  	s9 =	smul.u32 $0xF7A, s1;
	s8 =	simm.s32 @!p0 $0x1BF5;
	p2 =	por !p2, p0  }
0x20: {  	[sflag:s8] =	ssyncset.s32 @!p0 $0xFFFFF086;
	s6 =	sadd.s32 @!p0 s3, s7;
	s7 =	simm.s32 @!p0 $0x108  }
0x21: {  	s3 =	sadd.s32 s3, s9;
	s6 =	sadd.s32 @!p0 $0x88, s6;
	s7 =	simm.s32 @p2 $0x1082  }
0x22: {  	[simem:s7], [sflag:s8] =	dma.local @!p0 [hbm:s6], $0xF7A  }
0x23: {  	s9 =	sor.u32 $0xD0000000, s2;
	s6 =	simm.s32 $0x108;
	_ =	swait.ge @!p0 [sflag:s8], $0x0  }
0x24: {  	s3 =	sadd.s32 $0x88, s3;
	s6 =	simm.s32 @!p1 $0x1082;
	[sflag:s4] =	ssyncset.s32 $0xFFFFF086  }
0x25: {  	[simem:s6], [sflag:s4] =	dma.local [hbm:s3], $0xF7A  }
0x26: {  	[smem:$0x3F9F] =	sst s1;
	(tag) =	ssettag s2;
	_ =	strace s9  }
0x27: {  	s1 =	sld [smem:$0x3FAF]  }
0x28: {  	s2 =	sld [smem:$0x3FB0]  }
0x29: {  	s4 =	sld [smem:$0x3FB2]  }
0x2a: {  	p0 =	seq.s32 s5, $0x0;
	s5 =	sld [smem:$0x3FB3]  }
0x2b: {  	s6 =	sld [smem:$0x3FB4]  }
0x2c: {  	s7 =	sld [smem:$0x3FB5]  }
0x2d: {  	s3 =	simm.s32 $0x108;
	s8 =	sld [smem:$0x3FB6]  }
0x2e: {  	s3 =	simm.s32 @!p0 $0x1082;
	s9 =	sld [smem:$0x3FB7]  }
0x2f: {  	lr =	sadd.s32 s0, s3;
	s0 =	sld [smem:$0x3FAE]  }
0x30: {  	s3 =	sld [smem:$0x3FB1]  }
0x31: {  	[smem:$0x3FBA] =	sst s10  }
0x32: {  	s10 =	sld [smem:$0x3FB8];
	_ =	sdelay $0x3  }
0x33: {  	p0 =	seq.s32 s10, $0x1;
	s10 =	sld [smem:$0x3FBA];
	_ =	sdelay $0x3  }
0x34: {  	[smem:$0x3FBA] =	sst s10  }
0x35: {  	s10 =	sld [smem:$0x3FB9];
	_ =	sdelay $0x3  }
0x36: {  	p1 =	seq.s32 s10, $0x1;
	s10 =	sld [smem:$0x3FBA];
	_ =	sdelay $0x3  }
0x37: {  	[smem:$0x3FBA] =	sst s10  }
0x38: {  	s10 =	sld [smem:$0x3FBB]  }
0x39: {  	_ = 	snop;
	(pc) =	sbr.ind lr, $3  }
0x3a: {  	_ = 	snop  }
0x3b: {  	_ = 	snop  }
0x3c: {  	p2 =	seq.s32 s10, $0x1;
	s10 =	sld [smem:$0x3FBA]  }
0x3d: {  	_ =	shalt  }
0x3e: {  	_ =	shalt  }
0x3f: {  	_ =	shalt  }
0x40: {  	_ =	shalt  }
0x41: {  	_ =	shalt  }
0x42: {  	_ =	shalt  }
0x43: {  	_ =	shalt  }
0x44: {  	_ =	shalt  }
0x45: {  	_ =	shalt  }
0x46: {  	_ =	shalt  }
0x47: {  	_ =	shalt  }
0x48: {  	_ =	shalt  }
0x49: {  	_ =	shalt  }
0x4a: {  	_ =	shalt  }
0x4b: {  	_ =	shalt  }
0x4c: {  	_ =	shalt  }
0x4d: {  	_ =	shalt  }
0x4e: {  	_ =	shalt  }
0x4f: {  	_ =	shalt  }
0x50: {  	_ =	shalt  }
0x51: {  	_ =	shalt  }
0x52: {  	_ =	shalt  }
0x53: {  	_ =	shalt  }
0x54: {  	_ =	shalt  }
0x55: {  	_ =	shalt  }
0x56: {  	_ =	shalt  }
0x57: {  	_ =	shalt  }
0x58: {  	_ =	shalt  }
0x59: {  	_ =	shalt  }
0x5a: {  	_ =	shalt  }
0x5b: {  	_ =	shalt  }
0x5c: {  	_ =	shalt  }
0x5d: {  	_ =	shalt  }
0x5e: {  	_ =	shalt  }
0x5f: {  	_ =	shalt  }
0x60: {  	_ =	shalt  }
0x61: {  	_ =	shalt  }
0x62: {  	_ =	shalt  }
0x63: {  	_ =	shalt  }
0x64: {  	_ =	shalt  }
0x65: {  	_ =	shalt  }
0x66: {  	_ =	shalt  }
0x67: {  	_ =	shalt  }
0x68: {  	_ =	shalt  }
0x69: {  	_ =	shalt  }
0x6a: {  	_ =	shalt  }
0x6b: {  	_ =	shalt  }
0x6c: {  	_ =	shalt  }
0x6d: {  	_ =	shalt  }
0x6e: {  	_ =	shalt  }
0x6f: {  	_ =	shalt  }
0x70: {  	_ =	shalt  }
0x71: {  	_ =	shalt  }
0x72: {  	_ =	shalt  }
0x73: {  	_ =	shalt  }
0x74: {  	_ =	shalt  }
0x75: {  	_ =	shalt  }
0x76: {  	_ =	shalt  }
0x77: {  	_ =	shalt  }
0x78: {  	_ =	shalt  }
0x79: {  	_ =	shalt  }
0x7a: {  	_ =	shalt  }
0x7b: {  	_ =	shalt  }
0x7c: {  	_ =	shalt  }
0x7d: {  	_ =	shalt  }
0x7e: {  	_ =	shalt  }
0x7f: {  	_ =	shalt  }
0x80: {  	_ =	shalt  }
0x81: {  	_ =	shalt  }
0x82: {  	_ =	shalt  }
0x83: {  	_ =	shalt  }
0x84: {  	_ =	shalt  }
0x85: {  	_ =	shalt  }
0x86: {  	_ =	shalt  }
0x87: {  	_ =	shalt  }
.Lfunc_end0:
.L_simem_size_0:
called_computation_lowered:
.L_overlay_start_0:
0x88: {  	s2 =	sld [smem:$0x3FD9]  }
0x89: {  	s3 =	sld [smem:$0x3FFE];
	_ =	sdelay $0x1  }
0x8a: {  	s1 =	srdreg.scid  }
0x8b: {  	s0 =	sand.u32 $0x1, s1  }
0x8c: {  	s18 =	sshll.u32 s0, $0xA;
	s2 =	sadd.s32 s3, s2  }
0x8d: {  	s2 =	sadd.s32 s2, s18  }
0x8e: {  	[smem:$0x3FC6] =	sst s2  }
0x8f: {  	_ = 	snop  }
0x90: {  	s2 =	sld [smem:$0x3FC9]  }
0x91: {  	s19 =	sld [smem:$0x3FC8]  }
0x92: {  	s4 =	sld [smem:$0x3FD0];
	(tm) =	ssettm $0x1  }
0x93: {  	s5 =	sld [smem:$0x3FFB];
	_ =	sdelay $0x3  }
0x94: {  	_ =	strace s5  }
0x95: {  	s5 =	sld [smem:$0x3FFC];
	_ =	sdelay $0x3  }
0x96: {  	_ =	strace s5  }
0x97: {  	s5 =	sld [smem:$0x3FFD];
	_ =	sdelay $0x3  }
0x98: {  	_ =	strace s5  }
0x99: {  	_ =	strace $0x8FFFFFFF  }
0x9a: {  	s20 =	sld [smem:$0x3FDB];
	_ =	sdelay $0x1  }
0x9b: {  	s6 =	simm.s32 $_scs_section_size  }
0x9c: {  	s7 =	simm.s32 $_size__tile_overlayer_lowered;
	s8 =	simm.s32 $_tile_overlayer_lowered  }
0x9d: {  	s23 =	simm.s32 $0x1BFF;
	s22 =	sshll.u32 s8, $0x1;
	s5 =	sadd.s32 s6, s20  }
0x9e: {  	s9 =	simm.s32 $0x0;
	s21 =	sshll.u32 s7, $0x1;
	s7 =	sadd.s32 s22, s5  }
0x9f: {  	[timem:s9], [sflag:s23] =	dma.local [hbm:s7], s21  }
0xa0: {  	_ =	swait.ge [sflag:s23], s21  }
0xa1: {  	s6 =	ssub.s32 $0x0, s21;
	[sflag:s23] =	ssyncset.done $0x0  }
0xa2: {  	[sflag:s23] =	ssyncadd.s32 s6;
	_ =	sdelay $0x1  }
0xa3: {  	s24 =	simm.s32 $0x1B8B  }
0xa4: {  	_ =	swait.ge [sflag:s24], $0x1  }
0xa5: {  	[sflag:s24] =	ssyncset.done $0x0  }
0xa6: {  	s25 =	simm.s32 $0x1B8E;
	[sflag:s24] =	ssyncadd.s32 $0xFFFFFFFF  }
0xa7: {  	s26 =	simm.s32 $execute0_lowered;
	[smem:$0x3FD2] =	sst s25  }
0xa8: {  	s6 =	sshll.u32 s26, $0x1;
	_ =	strace $0x80000046;
	[dreg:$0x1] =	wrdreg $0xFFFFFFFF  }
0xa9: {  	s28 =	simm.s32 $_size_execute0_lowered;
	s5 =	sadd.s32 s5, s6;
	[dreg:$0x0] =	wrdreg $0x0  }
0xaa: {  	s6 =	sshll.u32 s28, $0x1;
	[dreg:$0x2] =	wrdreg s5  }
0xab: {  	[dreg:$0x3] =	wrdreg s6  }
0xac: {  	[dreg:$0x4] =	wrdreg $0xC0  }
0xad: {  	_ =	task [dreg:s9], $0x5FFFF  }
0xae: {  	[dreg:$0x1] =	wrdreg $0xFFFFFFFF  }
0xaf: {  	[dreg:$0x0] =	wrdreg $0x60  }
0xb0: {  	[dreg:$0x2] =	wrdreg s2  }
0xb1: {  	[dreg:$0x3] =	wrdreg s19  }
0xb2: {  	[dreg:$0x4] =	wrdreg s4  }
0xb3: {  	[dreg:$0x5] =	wrdreg $0x1F7000  }
0xb4: {  	[dreg:$0x6] =	wrdreg $0x9  }
0xb5: {  	_ =	task.clear_ibuf [dreg:s9], $0x7FFFF;
	_ =	strace $0x90000046  }
0xb6: {  	s29 =	simm.s32 $0x9;
	_ =	strace $0x80000048  }
0xb7: {  	_ =	swait.ge [sflag:s29], $0x1  }
0xb8: {  	[sflag:s29] =	ssyncadd.s32 $0xFFFFFFFF  }
0xb9: {  	_ =	strace $0x90000048  }
0xba: {  	_ =	sfence  }
0xbb: {  	s30 =	sld [smem:$0x0];
	_ =	sdelay $0x2  }
0xbc: {  	s31 =	sshll.u32 s1, $0xD;
	s1 =	sshrl.u32 s1, $0x2  }
0xbd: {  	s3 =	sand.u32 $0x4000, s31;
	s1 =	sadd.s32 s1, s30  }
0xbe: {  	s0 =	sor.u32 s3, s0;
	s1 =	sshll.u32 s1, $0x11  }
0xbf: {  	s0 =	sor.u32 s1, s0  }
0xc0: {  	s0 =	sadd.s32 $0x8F2B, s0  }
0xc1: {  	[sflag:s0] =	ssyncadd.remote.s32 $0x1  }
0xc2: {  	_ =	sfence.sel $0xFFFF  }
0xc3: {  	[dreg:$0x0] =	wrdreg $0xFFFFFFFF;
	(pc) =	sbr.abs _section_cstart, $3  }
0xc4: {  	[dreg:$0x1] =	wrdreg $0xFFFFFFFF  }
0xc5: {  	_ =	task.clear_ibuf [dreg:s9], $0x2FFFF;
	_ =	strace $0x9FFFFFFF  }
0xc6: {  	(tm) =	ssettm $0x7FFFFFFF  }
0xc7: {  	_ =	shalt  }
tec
execute0_lowered:
.L_overlay_start_1:
0x0: {  	(tag) =	ssettag $0x1  }
0x1: {  	s1 =	rddreg [dreg:$0x0]  }
0x2: {  	s0 =	rddreg [dreg:$0x1]  }
0x3: {  	s8 =	rddreg [dreg:$0x2]  }
0x4: {  	s2 =	rddreg [dreg:$0x3];
	s3 =	simm.s32 $0x0  }
0x5: {  	s4 =	srdreg.scid;
	s13 =	stileid.u32;
	s14 =	simm.s32 $0x400  }
0x6: {  	s16 =	simm.s32 $0x18700;
	s17 =	simm.s32 $0x19700;
	s18 =	simm.s32 $0x1A700  }
0x7: {  	s19 =	simm.s32 $0x1;
	s20 =	simm.s32 $0x2;
	s21 =	simm.s32 $0x1B700  }
0x8: {  	s22 =	simm.s32 $0x3;
	s23 =	simm.s32 $0x1C700;
	s24 =	simm.s32 $0x4  }
0x9: {  	s25 =	simm.s32 $0x1D700;
	s28 =	simm.s32 $0x5;
	s29 =	simm.s32 $0x0  }
0xa: {  	[smem:$0x7FF] =	sst s3;
	s4 =	sand.u32 $0x1, s4;
	s5 =	sshrl.u32 s13, $0x2  }
0xb: {  	s6 =	sshll.u32 s13, $0x8;
	p0 =	sne.s32 s13, $0x0;
	s13 =	simm.s32 $0x80  }
0xc: {  	s7 =	sshll.u32 s4, $0x7;
	s6 =	sand.u32 $0x300, s6;
	s9 =	smul.u32 $0xC3800, s5  }
0xd: {  	_ =	strace $0x80000047;
	s4 =	ssub.s32 $0x2, s4;
	s5 =	sshll.u32 s5, $0x11  }
0xe: {  	s15 =	sshrl.u32 @!p0 s2, $0x3;
	s6 =	sor.u32 s7, s6;
	s26 =	sshrl.u32 s4, $0x1  }
0xf: {  	s7 =	sadd.s32 $0x3000, s2;
	s9 =	sor.u32 s9, s6;
	s12 =	ssub.s32 s4, s26  }
0x10: {  	s6 =	sor.u32 s5, s6;
	s5 =	sadd.s32 $0x1000, s2;
	s26 =	simm.s32 $0x1E700  }
0x11: {  	s30 =	sshrl.u32 s9, $0x3;
	s31 =	sshrl.u32 s6, $0x3;
	s6 =	sadd.s32 $0x2000, s2  }
0x12: {  	s12 =	smax.u32 s12, $0x1;
	s4 =	sadd.s32 s0, s30;
	s8 =	sadd.s32 s8, s31  }
0x13: {  	s9 =	sadd.s32 $0x1000, s8;
	s10 =	sadd.s32 $0x2000, s8;
	s11 =	sadd.s32 $0x3000, s8  }
.LBB2_1:
0x14: {  	[tilespmem:s3], [sflag:$0x1] =	stream.strided.gather [hbm4b:s4+s13], $0x18700, s14, s13, $0x38;
	[tilespmem:$0x1FB00] =	vst v63  }
0x15: {  	s0 =	simm.s32 @!p0 $0x1C06  }
0x16: {  	[spmem:s15], [sflag:s0] =	dma.local @!p0 [hbm:s1], $0x800  }
0x17: {  	s0 =	simm.s32 @!p0 $0x6  }
0x18: {  	_ =	swait.ge @!p0 [sflag:s0], $0x800  }
0x19: {  	[sflag:s0] =	ssyncset.done @!p0 $0x0  }
0x1a: {  	[sflag:s0] =	ssyncadd.s32 @!p0 $0xFFFFF800  }
0x1b: {  	[bflag:$0x0] =	sbarrier.arrive $0xFFFF  }
0x1c: {  	[tilespmem:s16], [sflag:$0x2] =	stream.linear.gather [spmem:s2], $0x1000, $0x38;
	[tilespmem:$0x1FB00] =	vst v63  }
0x1d: {  	_ = 	snop  }
0x1e: {  	[tilespmem:s17], [sflag:$0x3] =	stream.linear.gather [spmem:s5], $0x1000, $0x38;
	[tilespmem:$0x1FB00] =	vst v63  }
0x1f: {  	_ = 	snop  }
0x20: {  	[tilespmem:s18], [sflag:$0x4] =	stream.linear.gather [spmem:s6], $0x1000, $0x38;
	[tilespmem:$0x1FB00] =	vst v63  }
0x21: {  	_ =	swait.ge [sflag:s19], $0x18700  }
0x22: {  	[sflag:s19] =	ssyncset.done $0x0  }
0x23: {  	[sflag:s19] =	ssyncadd.s32 $0xFFFE7900  }
0x24: {  	_ =	swait.ge [sflag:s20], $0x1000  }
0x25: {  	[sflag:s20] =	ssyncset.done $0x0  }
0x26: {  	s0 =	simm.s32 $0x18740;
	[sflag:s20] =	ssyncadd.s32 $0xFFFFF000  }
0x27: {  	v0 =	vld [tilespmem:s0+$0x30]  }
0x28: {  	v1 =	vld [tilespmem:s0+$0xFFFFFFD0]  }
0x29: {  	v2 =	vld [tilespmem:s0+$0xFFFFFFE0]  }
0x2a: {  	v3 =	vld [tilespmem:s0+$0xFFFFFFF0]  }
0x2b: {  	v4 =	vld [tilespmem:s0+$0x0]  }
0x2c: {  	v6 =	vld [tilespmem:s0+$0x10]  }
0x2d: {  	v7 =	vld [tilespmem:s0+$0x20]  }
0x2e: {  	v8 =	vld [tilespmem:s0+$0xFFFFFFC0]  }
0x2f: {  	v9 =	vld.idx.msk [tilespmem:v0+s3+$0x0], $0xffff  }
0x30: {  	v10 =	vld.idx.msk [tilespmem:v1+s3+$0x0], $0xffff  }
0x31: {  	v5 =	vld.idx.msk [tilespmem:v2+s3+$0x0], $0xffff  }
0x32: {  	v3 =	vld.idx.msk [tilespmem:v3+s3+$0x0], $0xffff  }
0x33: {  	v0 =	vld.idx.msk [tilespmem:v4+s3+$0x0], $0xffff  }
0x34: {  	s30 =	simm.s32 $0x1B740;
	v1 =	vld.idx.msk [tilespmem:v6+s3+$0x0], $0xffff  }
0x35: {  	v2 =	vld.idx.msk [tilespmem:v7+s3+$0x0], $0xffff;
	[tilespmem:s30+$0x30] =	vst v9  }
0x36: {  	s31 =	simm.s32 $0x0;
	s0 =	simm.s32 $0x187C0;
	v4 =	vld.idx.msk [tilespmem:v8+s3+$0x0], $0xffff;
	[tilespmem:s30+$0xFFFFFFD0] =	vst v10  }
.LBB2_2:
0x37: {  	v6 =	vld [tilespmem:s0+$0x30];
	s31 =	sadd.s32 $0x80, s31;
	[tilespmem:s30+$0xFFFFFFE0] =	vst v5  }
0x38: {  	v5 =	vld [tilespmem:s0+$0xFFFFFFD0];
	p1 =	slt.u32 s31, $0xF80;
	[tilespmem:s30+$0xFFFFFFF0] =	vst v3  }
0x39: {  	v3 =	vld [tilespmem:s0+$0xFFFFFFE0];
	[tilespmem:s30+$0x0] =	vst v0  }
0x3a: {  	v0 =	vld [tilespmem:s0+$0xFFFFFFF0];
	[tilespmem:s30+$0x10] =	vst v1  }
0x3b: {  	v1 =	vld [tilespmem:s0+$0x0];
	[tilespmem:s30+$0x20] =	vst v2  }
0x3c: {  	v2 =	vld [tilespmem:s0+$0x10];
	[tilespmem:s30+$0xFFFFFFC0] =	vst v4  }
0x3d: {  	v4 =	vld [tilespmem:s0+$0x20]  }
0x3e: {  	v7 =	vld [tilespmem:s0+$0xFFFFFFC0]  }
0x3f: {  	v6 =	vld.idx.msk [tilespmem:v6+s3+$0x0], $0xffff  }
0x40: {  	v8 =	vld.idx.msk [tilespmem:v5+s3+$0x0], $0xffff  }
0x41: {  	v5 =	vld.idx.msk [tilespmem:v3+s3+$0x0], $0xffff  }
.Ltmp0:
0x42: {  	v3 =	vld.idx.msk [tilespmem:v0+s3+$0x0], $0xffff;
	(pc) =	sbr.rel @p1 .LBB2_2-.Ltmp0, $4  }
0x43: {  	v0 =	vld.idx.msk [tilespmem:v1+s3+$0x0], $0xffff  }
0x44: {  	s30 =	sadd.s32 $0x80, s30;
	v1 =	vld.idx.msk [tilespmem:v2+s3+$0x0], $0xffff  }
0x45: {  	v2 =	vld.idx.msk [tilespmem:v4+s3+$0x0], $0xffff;
	[tilespmem:s30+$0x30] =	vst v6  }
0x46: {  	s0 =	sadd.s32 $0x80, s0;
	v4 =	vld.idx.msk [tilespmem:v7+s3+$0x0], $0xffff;
	[tilespmem:s30+$0xFFFFFFD0] =	vst v8  }
0x47: {  	[tilespmem:s30+$0xFFFFFFE0] =	vst v5  }
0x48: {  	[tilespmem:s30+$0xFFFFFFF0] =	vst v3  }
0x49: {  	[tilespmem:s30+$0x0] =	vst v0  }
0x4a: {  	[tilespmem:s30+$0x10] =	vst v1  }
0x4b: {  	[tilespmem:s30+$0x20] =	vst v2  }
0x4c: {  	[tilespmem:s30+$0xFFFFFFC0] =	vst v4  }
0x4d: {  	[tilespmem:s16], [sflag:$0x2] =	stream.linear.gather [spmem:s7], $0x1000, $0x38;
	[tilespmem:$0x1FB00] =	vst v63  }
0x4e: {  	_ = 	snop  }
0x4f: {  	[hbm4b:s8+s13] =	stream.strided.scatter [tilespmem:s21], [sflag:$0x5], $0x1000, s14, s13, $0x38;
	[tilespmem:$0x1FB00] =	vst v63  }
0x50: {  	_ =	swait.ge [sflag:s22], $0x1000  }
0x51: {  	[sflag:s22] =	ssyncset.done $0x0  }
0x52: {  	s0 =	simm.s32 $0x19740;
	[sflag:s22] =	ssyncadd.s32 $0xFFFFF000  }
0x53: {  	v0 =	vld [tilespmem:s0+$0x30]  }
0x54: {  	v1 =	vld [tilespmem:s0+$0xFFFFFFD0]  }
0x55: {  	v2 =	vld [tilespmem:s0+$0xFFFFFFE0]  }
0x56: {  	v3 =	vld [tilespmem:s0+$0xFFFFFFF0]  }
0x57: {  	v4 =	vld [tilespmem:s0+$0x0]  }
0x58: {  	v6 =	vld [tilespmem:s0+$0x10]  }
0x59: {  	v7 =	vld [tilespmem:s0+$0x20]  }
0x5a: {  	v8 =	vld [tilespmem:s0+$0xFFFFFFC0]  }
0x5b: {  	v9 =	vld.idx.msk [tilespmem:v0+s3+$0x0], $0xffff  }
0x5c: {  	v10 =	vld.idx.msk [tilespmem:v1+s3+$0x0], $0xffff  }
0x5d: {  	v5 =	vld.idx.msk [tilespmem:v2+s3+$0x0], $0xffff  }
0x5e: {  	v3 =	vld.idx.msk [tilespmem:v3+s3+$0x0], $0xffff  }
0x5f: {  	v0 =	vld.idx.msk [tilespmem:v4+s3+$0x0], $0xffff  }
0x60: {  	s30 =	simm.s32 $0x1C770;
	v1 =	vld.idx.msk [tilespmem:v6+s3+$0x0], $0xffff  }
0x61: {  	v2 =	vld.idx.msk [tilespmem:v7+s3+$0x0], $0xffff;
	[tilespmem:s30+$0x0] =	vst v9  }
0x62: {  	s31 =	simm.s32 $0x0;
	s0 =	simm.s32 $0x197C0;
	v4 =	vld.idx.msk [tilespmem:v8+s3+$0x0], $0xffff;
	[tilespmem:s30+$0xFFFFFFA0] =	vst v10  }
.LBB2_4:
0x63: {  	v6 =	vld [tilespmem:s0+$0x30];
	s31 =	sadd.s32 $0x80, s31;
	[tilespmem:s30+$0xFFFFFFB0] =	vst v5  }
0x64: {  	v5 =	vld [tilespmem:s0+$0xFFFFFFD0];
	p1 =	slt.u32 s31, $0xF80;
	[tilespmem:s30+$0xFFFFFFC0] =	vst v3  }
0x65: {  	v3 =	vld [tilespmem:s0+$0xFFFFFFE0];
	[tilespmem:s30+$0xFFFFFFD0] =	vst v0  }
0x66: {  	v0 =	vld [tilespmem:s0+$0xFFFFFFF0];
	[tilespmem:s30+$0xFFFFFFE0] =	vst v1  }
0x67: {  	v1 =	vld [tilespmem:s0+$0x0];
	[tilespmem:s30+$0xFFFFFFF0] =	vst v2  }
0x68: {  	v2 =	vld [tilespmem:s0+$0x10];
	[tilespmem:s30+$0xFFFFFF90] =	vst v4  }
0x69: {  	v4 =	vld [tilespmem:s0+$0x20]  }
0x6a: {  	v7 =	vld [tilespmem:s0+$0xFFFFFFC0]  }
0x6b: {  	v6 =	vld.idx.msk [tilespmem:v6+s3+$0x0], $0xffff  }
0x6c: {  	v8 =	vld.idx.msk [tilespmem:v5+s3+$0x0], $0xffff  }
0x6d: {  	v5 =	vld.idx.msk [tilespmem:v3+s3+$0x0], $0xffff  }
.Ltmp1:
0x6e: {  	v3 =	vld.idx.msk [tilespmem:v0+s3+$0x0], $0xffff;
	(pc) =	sbr.rel @p1 .LBB2_4-.Ltmp1, $4  }
0x6f: {  	v0 =	vld.idx.msk [tilespmem:v1+s3+$0x0], $0xffff  }
0x70: {  	s30 =	sadd.s32 $0x80, s30;
	v1 =	vld.idx.msk [tilespmem:v2+s3+$0x0], $0xffff  }
0x71: {  	v2 =	vld.idx.msk [tilespmem:v4+s3+$0x0], $0xffff;
	[tilespmem:s30+$0x0] =	vst v6  }
0x72: {  	s0 =	sadd.s32 $0x80, s0;
	v4 =	vld.idx.msk [tilespmem:v7+s3+$0x0], $0xffff;
	[tilespmem:s30+$0xFFFFFFA0] =	vst v8  }
0x73: {  	[tilespmem:s30+$0xFFFFFFB0] =	vst v5  }
0x74: {  	[tilespmem:s30+$0xFFFFFFC0] =	vst v3  }
0x75: {  	[tilespmem:s30+$0xFFFFFFD0] =	vst v0  }
0x76: {  	[tilespmem:s30+$0xFFFFFFE0] =	vst v1  }
0x77: {  	[tilespmem:s30+$0xFFFFFFF0] =	vst v2  }
0x78: {  	[tilespmem:s30+$0xFFFFFF90] =	vst v4  }
0x79: {  	[hbm4b:s9+s13] =	stream.strided.scatter [tilespmem:s23], [sflag:$0x5], $0x1000, s14, s13, $0x38;
	[tilespmem:$0x1FB00] =	vst v63  }
0x7a: {  	_ =	swait.ge [sflag:s24], $0x1000  }
0x7b: {  	[sflag:s24] =	ssyncset.done $0x0  }
0x7c: {  	s0 =	simm.s32 $0x1A740;
	[sflag:s24] =	ssyncadd.s32 $0xFFFFF000  }
0x7d: {  	v0 =	vld [tilespmem:s0+$0x30]  }
0x7e: {  	v1 =	vld [tilespmem:s0+$0xFFFFFFD0]  }
0x7f: {  	v2 =	vld [tilespmem:s0+$0xFFFFFFE0]  }
0x80: {  	v3 =	vld [tilespmem:s0+$0xFFFFFFF0]  }
0x81: {  	v4 =	vld [tilespmem:s0+$0x0]  }
0x82: {  	v6 =	vld [tilespmem:s0+$0x10]  }
0x83: {  	v7 =	vld [tilespmem:s0+$0x20]  }
0x84: {  	v8 =	vld [tilespmem:s0+$0xFFFFFFC0]  }
0x85: {  	v9 =	vld.idx.msk [tilespmem:v0+s3+$0x0], $0xffff  }
0x86: {  	v10 =	vld.idx.msk [tilespmem:v1+s3+$0x0], $0xffff  }
0x87: {  	v5 =	vld.idx.msk [tilespmem:v2+s3+$0x0], $0xffff  }
0x88: {  	v3 =	vld.idx.msk [tilespmem:v3+s3+$0x0], $0xffff  }
0x89: {  	v0 =	vld.idx.msk [tilespmem:v4+s3+$0x0], $0xffff  }
0x8a: {  	s30 =	simm.s32 $0x1D770;
	v1 =	vld.idx.msk [tilespmem:v6+s3+$0x0], $0xffff  }
0x8b: {  	v2 =	vld.idx.msk [tilespmem:v7+s3+$0x0], $0xffff;
	[tilespmem:s30+$0x0] =	vst v9  }
0x8c: {  	s31 =	simm.s32 $0x0;
	s0 =	simm.s32 $0x1A7C0;
	v4 =	vld.idx.msk [tilespmem:v8+s3+$0x0], $0xffff;
	[tilespmem:s30+$0xFFFFFFA0] =	vst v10  }
.LBB2_6:
0x8d: {  	v6 =	vld [tilespmem:s0+$0x30];
	s31 =	sadd.s32 $0x80, s31;
	[tilespmem:s30+$0xFFFFFFB0] =	vst v5  }
0x8e: {  	v5 =	vld [tilespmem:s0+$0xFFFFFFD0];
	p1 =	slt.u32 s31, $0xF80;
	[tilespmem:s30+$0xFFFFFFC0] =	vst v3  }
0x8f: {  	v3 =	vld [tilespmem:s0+$0xFFFFFFE0];
	[tilespmem:s30+$0xFFFFFFD0] =	vst v0  }
0x90: {  	v0 =	vld [tilespmem:s0+$0xFFFFFFF0];
	[tilespmem:s30+$0xFFFFFFE0] =	vst v1  }
0x91: {  	v1 =	vld [tilespmem:s0+$0x0];
	[tilespmem:s30+$0xFFFFFFF0] =	vst v2  }
0x92: {  	v2 =	vld [tilespmem:s0+$0x10];
	[tilespmem:s30+$0xFFFFFF90] =	vst v4  }
0x93: {  	v4 =	vld [tilespmem:s0+$0x20]  }
0x94: {  	v7 =	vld [tilespmem:s0+$0xFFFFFFC0]  }
0x95: {  	v6 =	vld.idx.msk [tilespmem:v6+s3+$0x0], $0xffff  }
0x96: {  	v8 =	vld.idx.msk [tilespmem:v5+s3+$0x0], $0xffff  }
0x97: {  	v5 =	vld.idx.msk [tilespmem:v3+s3+$0x0], $0xffff  }
.Ltmp2:
0x98: {  	v3 =	vld.idx.msk [tilespmem:v0+s3+$0x0], $0xffff;
	(pc) =	sbr.rel @p1 .LBB2_6-.Ltmp2, $4  }
0x99: {  	v0 =	vld.idx.msk [tilespmem:v1+s3+$0x0], $0xffff  }
0x9a: {  	s30 =	sadd.s32 $0x80, s30;
	v1 =	vld.idx.msk [tilespmem:v2+s3+$0x0], $0xffff  }
0x9b: {  	v2 =	vld.idx.msk [tilespmem:v4+s3+$0x0], $0xffff;
	[tilespmem:s30+$0x0] =	vst v6  }
0x9c: {  	s0 =	sadd.s32 $0x80, s0;
	v4 =	vld.idx.msk [tilespmem:v7+s3+$0x0], $0xffff;
	[tilespmem:s30+$0xFFFFFFA0] =	vst v8  }
0x9d: {  	[tilespmem:s30+$0xFFFFFFB0] =	vst v5  }
0x9e: {  	[tilespmem:s30+$0xFFFFFFC0] =	vst v3  }
0x9f: {  	[tilespmem:s30+$0xFFFFFFD0] =	vst v0  }
0xa0: {  	[tilespmem:s30+$0xFFFFFFE0] =	vst v1  }
0xa1: {  	[tilespmem:s30+$0xFFFFFFF0] =	vst v2  }
0xa2: {  	[tilespmem:s30+$0xFFFFFF90] =	vst v4  }
0xa3: {  	[hbm4b:s10+s13] =	stream.strided.scatter [tilespmem:s25], [sflag:$0x5], $0x1000, s14, s13, $0x38;
	[tilespmem:$0x1FB00] =	vst v63  }
0xa4: {  	_ =	swait.ge [sflag:s20], $0x1000  }
0xa5: {  	[sflag:s20] =	ssyncset.done $0x0  }
0xa6: {  	s0 =	simm.s32 $0x18740;
	[sflag:s20] =	ssyncadd.s32 $0xFFFFF000  }
0xa7: {  	v0 =	vld [tilespmem:s0+$0x30]  }
0xa8: {  	v1 =	vld [tilespmem:s0+$0xFFFFFFD0]  }
0xa9: {  	v2 =	vld [tilespmem:s0+$0xFFFFFFE0]  }
0xaa: {  	v3 =	vld [tilespmem:s0+$0xFFFFFFF0]  }
0xab: {  	v4 =	vld [tilespmem:s0+$0x0]  }
0xac: {  	v6 =	vld [tilespmem:s0+$0x10]  }
0xad: {  	v7 =	vld [tilespmem:s0+$0x20]  }
0xae: {  	v8 =	vld [tilespmem:s0+$0xFFFFFFC0]  }
0xaf: {  	v9 =	vld.idx.msk [tilespmem:v0+s3+$0x0], $0xffff  }
0xb0: {  	v10 =	vld.idx.msk [tilespmem:v1+s3+$0x0], $0xffff  }
0xb1: {  	v5 =	vld.idx.msk [tilespmem:v2+s3+$0x0], $0xffff  }
0xb2: {  	v3 =	vld.idx.msk [tilespmem:v3+s3+$0x0], $0xffff  }
0xb3: {  	v0 =	vld.idx.msk [tilespmem:v4+s3+$0x0], $0xffff  }
0xb4: {  	s30 =	simm.s32 $0x1E770;
	v1 =	vld.idx.msk [tilespmem:v6+s3+$0x0], $0xffff  }
0xb5: {  	v2 =	vld.idx.msk [tilespmem:v7+s3+$0x0], $0xffff;
	[tilespmem:s30+$0x0] =	vst v9  }
0xb6: {  	s31 =	simm.s32 $0x0;
	s0 =	simm.s32 $0x187C0;
	v4 =	vld.idx.msk [tilespmem:v8+s3+$0x0], $0xffff;
	[tilespmem:s30+$0xFFFFFFA0] =	vst v10  }
.LBB2_8:
0xb7: {  	v6 =	vld [tilespmem:s0+$0x30];
	s31 =	sadd.s32 $0x80, s31;
	[tilespmem:s30+$0xFFFFFFB0] =	vst v5  }
0xb8: {  	v5 =	vld [tilespmem:s0+$0xFFFFFFD0];
	p1 =	slt.u32 s31, $0xF80;
	[tilespmem:s30+$0xFFFFFFC0] =	vst v3  }
0xb9: {  	v3 =	vld [tilespmem:s0+$0xFFFFFFE0];
	[tilespmem:s30+$0xFFFFFFD0] =	vst v0  }
0xba: {  	v0 =	vld [tilespmem:s0+$0xFFFFFFF0];
	[tilespmem:s30+$0xFFFFFFE0] =	vst v1  }
0xbb: {  	v1 =	vld [tilespmem:s0+$0x0];
	[tilespmem:s30+$0xFFFFFFF0] =	vst v2  }
0xbc: {  	v2 =	vld [tilespmem:s0+$0x10];
	[tilespmem:s30+$0xFFFFFF90] =	vst v4  }
0xbd: {  	v4 =	vld [tilespmem:s0+$0x20]  }
0xbe: {  	v7 =	vld [tilespmem:s0+$0xFFFFFFC0]  }
0xbf: {  	v6 =	vld.idx.msk [tilespmem:v6+s3+$0x0], $0xffff  }
0xc0: {  	v8 =	vld.idx.msk [tilespmem:v5+s3+$0x0], $0xffff  }
0xc1: {  	v5 =	vld.idx.msk [tilespmem:v3+s3+$0x0], $0xffff  }
.Ltmp3:
0xc2: {  	v3 =	vld.idx.msk [tilespmem:v0+s3+$0x0], $0xffff;
	(pc) =	sbr.rel @p1 .LBB2_8-.Ltmp3, $4  }
0xc3: {  	v0 =	vld.idx.msk [tilespmem:v1+s3+$0x0], $0xffff  }
0xc4: {  	s30 =	sadd.s32 $0x80, s30;
	v1 =	vld.idx.msk [tilespmem:v2+s3+$0x0], $0xffff  }
0xc5: {  	v2 =	vld.idx.msk [tilespmem:v4+s3+$0x0], $0xffff;
	[tilespmem:s30+$0x0] =	vst v6  }
0xc6: {  	s0 =	sadd.s32 $0x80, s0;
	v4 =	vld.idx.msk [tilespmem:v7+s3+$0x0], $0xffff;
	[tilespmem:s30+$0xFFFFFFA0] =	vst v8  }
0xc7: {  	[tilespmem:s30+$0xFFFFFFB0] =	vst v5  }
0xc8: {  	[tilespmem:s30+$0xFFFFFFC0] =	vst v3  }
0xc9: {  	[tilespmem:s30+$0xFFFFFFD0] =	vst v0  }
0xca: {  	[tilespmem:s30+$0xFFFFFFE0] =	vst v1  }
0xcb: {  	[tilespmem:s30+$0xFFFFFFF0] =	vst v2  }
0xcc: {  	[tilespmem:s30+$0xFFFFFF90] =	vst v4  }
0xcd: {  	[hbm4b:s11+s13] =	stream.strided.scatter [tilespmem:s26], [sflag:$0x5], $0x1000, s14, s13, $0x38;
	[tilespmem:$0x1FB00] =	vst v63  }
0xce: {  	_ =	swait.ge [sflag:s28], $0x1000  }
0xcf: {  	[sflag:s28] =	ssyncset.done $0x0  }
0xd0: {  	[sflag:s28] =	ssyncadd.s32 $0xFFFFF000  }
0xd1: {  	_ =	swait.ge [sflag:s28], $0x1000  }
0xd2: {  	[sflag:s28] =	ssyncset.done $0x0  }
0xd3: {  	s29 =	sadd.s32 $0x1, s29;
	[sflag:s28] =	ssyncadd.s32 $0xFFFFF000  }
0xd4: {  	p1 =	sne.s32 s29, s12;
	_ =	swait.ge [sflag:s28], $0x1000  }
.Ltmp4:
0xd5: {  	[sflag:s28] =	ssyncset.done $0x0;
	(pc) =	sbr.rel @p1 .LBB2_1-.Ltmp4, $4  }
0xd6: {  	[sflag:s28] =	ssyncadd.s32 $0xFFFFF000  }
0xd7: {  	_ =	swait.ge [sflag:s28], $0x1000  }
0xd8: {  	[sflag:s28] =	ssyncset.done $0x0  }
0xd9: {  	[sflag:s28] =	ssyncadd.s32 $0xFFFFF000  }
0xda: {  	_ =	sfence.sel $0x180000  }
0xdb: {  	[bflag:$0x0] =	sbarrier.arrive $0xFFFF  }
0xdc: {  	_ =	strace $0x90000047  }
0xdd: {  	[bflag:$0x2] =	sbarrier.arrive $0xFFFF  }
0xde: {  	s0 =	rddreg [dreg:$0x4]  }
0xdf: {  	s0 =	sadd.s32 @!p0 $0x100000, s0  }
0xe0: {  	[sflag:s0] =	ssyncadd.tile.s32 @!p0 $0x1;
	_ =	shalt  }
.Lfunc_end2:
_tile_overlayer_lowered:
.L_overlay_start_2:
0xe1: {  	(tag) =	ssettag $0x2  }
0xe2: {  	s0 =	rddreg [dreg:$0x0];
	s2 =	stileid.u32  }
0xe3: {  	s1 =	rddreg [dreg:$0x1];
	p0 =	sne.s32 s2, $0x0  }
0xe4: {  	s3 =	rddreg [dreg:$0x2];
	[bflag:$0x3] =	sbarrier.arrive $0xFFFF;
	s2 =	simm.s32 @!p0 $0x1C06  }
0xe5: {  	[timem:s3], [sflag:s2] =	dma.local @!p0 [hbm:s0], s1  }
0xe6: {  	s0 =	simm.s32 @!p0 $0x6  }
0xe7: {  	_ =	swait.ge @!p0 [sflag:s0], s1  }
0xe8: {  	s1 =	ssub.s32 @!p0 $0x0, s1;
	[sflag:s0] =	ssyncset.done @!p0 $0x0  }
0xe9: {  	[sflag:s0] =	ssyncadd.s32 @!p0 s1  }
0xea: {  	[bflag:$0x3] =	sbarrier.arrive $0xFFFF  }
0xeb: {  	_ =	shalt  }

</sc_bundles>
